<compile_context>
chip_gen: v7x
topology: tpu7x:2x2x1
jax: 0.10.2.dev20260603
libtpu: 0.0.44.dev20260713+nightly
codegen_flags: <defaults>
</compile_context>

<pallas_src>
import functools

import jax
import jax.numpy as jnp
from jax import lax
from jax.experimental import pallas as pl
from jax.experimental.pallas import tpu as pltpu
from jax.experimental.pallas import tpu_sc as plsc

DIM = 128
CHUNK = 128
NBUF = 6
DEPTH = 4


def _emb_kernel(n_chunks, n_cores, idx_hbm, table_hbm, out_hbm, idx_v, rows_v,
                gsem, osem):
  wid = lax.axis_index("s") * n_cores + lax.axis_index("c")
  base = wid * (n_chunks * CHUNK)
  pltpu.sync_copy(idx_hbm.at[wid], idx_v)

  def gather(j, slot):
    return pltpu.make_async_copy(table_hbm.at[idx_v.at[j]], rows_v.at[slot],
                                 gsem)

  def outcp(j, slot):
    return pltpu.make_async_copy(rows_v.at[slot],
                                 out_hbm.at[pl.ds(base + j * CHUNK, CHUNK)],
                                 osem)

  for b in range(DEPTH):
    gather(b, b).start()

  def step(j, _):
    slot = lax.rem(j, NBUF)
    gather(j, slot).wait()
    outcp(j, slot).start()

    @pl.when(j + DEPTH < n_chunks)
    def _():
      nxt = j + DEPTH

      @pl.when(j >= NBUF - DEPTH)
      def _():
        outcp(j - (NBUF - DEPTH), lax.rem(nxt, NBUF)).wait()

      gather(nxt, lax.rem(nxt, NBUF)).start()

    return 0

  lax.fori_loop(0, n_chunks, step, 0)
  for j in range(max(0, n_chunks - NBUF), n_chunks):
    outcp(j, j % NBUF).wait()


def kernel(input_ids, table):
  b0, s = input_ids.shape
  b = b0 * s
  info = plsc.get_sparse_core_info()
  nw = info.num_cores * info.num_subcores
  assert b % (nw * CHUNK) == 0
  n_chunks = b // (nw * CHUNK)

  idx = input_ids.T.reshape(nw, n_chunks, CHUNK).astype(jnp.int32)
  mesh = plsc.VectorSubcoreMesh(core_axis_name="c", subcore_axis_name="s")

  emb = functools.partial(
      pl.kernel,
      mesh=mesh,
      out_type=jax.ShapeDtypeStruct((b, DIM), jnp.float32),
      scratch_types=[
          pltpu.VMEM((n_chunks, CHUNK), jnp.int32),
          pltpu.VMEM((NBUF, CHUNK, DIM), jnp.float32),
          pltpu.SemaphoreType.DMA,
          pltpu.SemaphoreType.DMA,
      ],
  )(functools.partial(_emb_kernel, n_chunks, info.num_cores))

  out = emb(idx, table)
  return out.reshape(s, b0, DIM).transpose(1, 0, 2)

# --- scband reference (transcript-rebuilt; emitter-appended) ---
"""Pipeline reference for scband-pretrained-embeddings-75642964017707 (READ-ONLY COPY).

The authoritative reference and input builder live on the scoring server;
editing this copy changes nothing except your own understanding.
"""

import jax, jax.numpy as jnp
import numpy as np

VOCAB = 100000
DIM = 128
PAD_ID = 0

def setup_inputs(seed: int = 0) -> dict:
    key = jax.random.key(seed)
    k_idx, k_tab = jax.random.split(key)
    input_ids = jax.random.randint(k_idx, (16384, 50), 0, VOCAB, dtype=jnp.int64 if jax.config.read('jax_enable_x64') else jnp.int32)
    table = jax.random.normal(k_tab, (VOCAB, DIM), dtype=jnp.float32) * 0.1
    # padding_idx row is zeroed (nn.Embedding.from_pretrained with padding_idx)
    table = table.at[PAD_ID].set(0.0)
    return {"input_ids": input_ids, "table": table}

def reference(input_ids, table):
    # nn.Embedding forward: gather rows of table by input_ids
    return jnp.take(table, input_ids, axis=0)

if __name__ == "__main__":
    import jax
    _d = setup_inputs()
    print(jax.jit(kernel)(*tuple(_d.values())))

</pallas_src>

<mosaic_0001>
#map = affine_map<(d0, d1) -> (0, 0, 0)>
#map1 = affine_map<(d0, d1) -> (0, 0)>
module attributes {stable_mosaic.version = 14 : i64} {
  func.func @_emb_kernel(%arg0: i32, %arg1: i32, %arg2: memref<32x200x128xi32, #tpu.memory_space<hbm>>, %arg3: memref<100000x128xf32, #tpu.memory_space<hbm>>, %arg4: memref<819200x128xf32, #tpu.memory_space<hbm>>, %arg5: memref<200x128xi32, #tpu.memory_space<vmem>>, %arg6: memref<6x128x128xf32, #tpu.memory_space<vmem>>, %arg7: memref<!tpu.dma_semaphore, #tpu.memory_space<semaphore_mem>>, %arg8: memref<!tpu.dma_semaphore, #tpu.memory_space<semaphore_mem>>) attributes {dimension_semantics = [#tpu.dimension_semantics<core_parallel>, #tpu.dimension_semantics<subcore_parallel>], iteration_bounds = array<i64: 2, 16>, scalar_prefetch = 0 : i64, scratch_operands = 4 : i64, tpu.core_type = #tpu.core_type<sc_vector_subcore>, window_params = [{transform_indices = #map}, {transform_indices = #map1}, {transform_indices = #map1}]} {
    %mul3A = arith.constant 2 : i32
    %mul3A_0 = arith.muli %arg1, %mul3A : i32
    %add3A = arith.addi %mul3A_0, %arg0 : i32
    %mul3A_1 = arith.constant 25600 : i32
    %mul3A_2 = arith.muli %add3A, %mul3A_1 : i32
    "tpu.region"() ({
      %run_scoped3A = tpu.sem_alloc : memref<!tpu.dma_semaphore, #tpu.memory_space<semaphore_mem>>
      %dma_start3A_145 = arith.constant 0 : i32
      %dma_start3A_146 = arith.constant 0 : i32
      %dma_start3A_147 = tpu.memref_slice %arg2[%add3A, %dma_start3A_145, %dma_start3A_146] : memref<32x200x128xi32, #tpu.memory_space<hbm>> -> memref<1x200x128xi32, #tpu.memory_space<hbm>>
      %dma_start3A_148 = tpu.memref_squeeze %dma_start3A_147 : memref<1x200x128xi32, #tpu.memory_space<hbm>> -> memref<200x128xi32, #tpu.memory_space<hbm>>
      %dma_start3A_149 = arith.constant 0 : i32
      %dma_start3A_150 = arith.constant 0 : i32
      %dma_start3A_151 = tpu.memref_slice %arg2[%add3A, %dma_start3A_149, %dma_start3A_150] : memref<32x200x128xi32, #tpu.memory_space<hbm>> -> memref<1x200x128xi32, #tpu.memory_space<hbm>>
      %dma_start3A_152 = tpu.memref_squeeze %dma_start3A_151 : memref<1x200x128xi32, #tpu.memory_space<hbm>> -> memref<200x128xi32, #tpu.memory_space<hbm>>
      tpu.enqueue_dma source(%dma_start3A_152 : memref<200x128xi32, #tpu.memory_space<hbm>>) target(%arg5 : memref<200x128xi32, #tpu.memory_space<vmem>>) target_semaphore(%run_scoped3A : memref<!tpu.dma_semaphore, #tpu.memory_space<semaphore_mem>>)
      %dma_wait3A_153 = arith.constant 0 : i32
      %dma_wait3A_154 = arith.constant 0 : i32
      %dma_wait3A_155 = tpu.memref_slice %arg2[%add3A, %dma_wait3A_153, %dma_wait3A_154] : memref<32x200x128xi32, #tpu.memory_space<hbm>> -> memref<1x200x128xi32, #tpu.memory_space<hbm>>
      %dma_wait3A_156 = tpu.memref_squeeze %dma_wait3A_155 : memref<1x200x128xi32, #tpu.memory_space<hbm>> -> memref<200x128xi32, #tpu.memory_space<hbm>>
      %dma_wait3A_157 = arith.constant 0 : i32
      %dma_wait3A_158 = arith.constant 0 : i32
      %dma_wait3A_159 = tpu.memref_slice %arg2[%add3A, %dma_wait3A_157, %dma_wait3A_158] : memref<32x200x128xi32, #tpu.memory_space<hbm>> -> memref<1x200x128xi32, #tpu.memory_space<hbm>>
      %dma_wait3A_160 = tpu.memref_squeeze %dma_wait3A_159 : memref<1x200x128xi32, #tpu.memory_space<hbm>> -> memref<200x128xi32, #tpu.memory_space<hbm>>
      tpu.wait_dma2 semaphore(%run_scoped3A : memref<!tpu.dma_semaphore, #tpu.memory_space<semaphore_mem>>) src(%dma_wait3A_160 : memref<200x128xi32, #tpu.memory_space<hbm>>) dst(%arg5 : memref<200x128xi32, #tpu.memory_space<vmem>>)
      tpu.yield
    }) : () -> ()
    %dma_start3A = arith.constant 0 : i32
    %dma_start3A_3 = arith.constant 0 : i32
    %dma_start3A_4 = arith.constant 0 : i32
    %dma_start3A_5 = arith.constant 0 : i32
    %dma_start3A_6 = tpu.memref_slice %arg6[%dma_start3A_3, %dma_start3A_4, %dma_start3A_5] : memref<6x128x128xf32, #tpu.memory_space<vmem>> -> memref<1x128x128xf32, #tpu.memory_space<vmem>>
    %dma_start3A_7 = tpu.memref_squeeze %dma_start3A_6 : memref<1x128x128xf32, #tpu.memory_space<vmem>> -> memref<128x128xf32, #tpu.memory_space<vmem>>
    %dma_start3A_8 = arith.constant 0 : i32
    %dma_start3A_9 = tpu.memref_slice %arg5[%dma_start3A, %dma_start3A_8] : memref<200x128xi32, #tpu.memory_space<vmem>> -> memref<1x128xi32, #tpu.memory_space<vmem>>
    %dma_start3A_10 = tpu.memref_squeeze %dma_start3A_9 : memref<1x128xi32, #tpu.memory_space<vmem>> -> memref<128xi32, #tpu.memory_space<vmem>>
    %dma_start3A_11 = arith.constant 0 : i32
    %dma_start3A_12 = arith.constant 0 : i32
    %dma_start3A_13 = tpu.memref_slice %arg3[%dma_start3A_11, %dma_start3A_12] : memref<100000x128xf32, #tpu.memory_space<hbm>> -> memref<100000x128xf32, #tpu.memory_space<hbm>>
    tpu.enqueue_indirect_dma source(%dma_start3A_13 : memref<100000x128xf32, #tpu.memory_space<hbm>>) target(%dma_start3A_7 : memref<128x128xf32, #tpu.memory_space<vmem>>) offsets(%dma_start3A_10 : memref<128xi32, #tpu.memory_space<vmem>>) semaphore(%arg7 : memref<!tpu.dma_semaphore, #tpu.memory_space<semaphore_mem>>)
    %dma_start3A_14 = arith.constant 1 : i32
    %dma_start3A_15 = arith.constant 1 : i32
    %dma_start3A_16 = arith.constant 0 : i32
    %dma_start3A_17 = arith.constant 0 : i32
    %dma_start3A_18 = tpu.memref_slice %arg6[%dma_start3A_15, %dma_start3A_16, %dma_start3A_17] : memref<6x128x128xf32, #tpu.memory_space<vmem>> -> memref<1x128x128xf32, #tpu.memory_space<vmem>>
    %dma_start3A_19 = tpu.memref_squeeze %dma_start3A_18 : memref<1x128x128xf32, #tpu.memory_space<vmem>> -> memref<128x128xf32, #tpu.memory_space<vmem>>
    %dma_start3A_20 = arith.constant 0 : i32
    %dma_start3A_21 = tpu.memref_slice %arg5[%dma_start3A_14, %dma_start3A_20] : memref<200x128xi32, #tpu.memory_space<vmem>> -> memref<1x128xi32, #tpu.memory_space<vmem>>
    %dma_start3A_22 = tpu.memref_squeeze %dma_start3A_21 : memref<1x128xi32, #tpu.memory_space<vmem>> -> memref<128xi32, #tpu.memory_space<vmem>>
    %dma_start3A_23 = arith.constant 0 : i32
    %dma_start3A_24 = arith.constant 0 : i32
    %dma_start3A_25 = tpu.memref_slice %arg3[%dma_start3A_23, %dma_start3A_24] : memref<100000x128xf32, #tpu.memory_space<hbm>> -> memref<100000x128xf32, #tpu.memory_space<hbm>>
    tpu.enqueue_indirect_dma source(%dma_start3A_25 : memref<100000x128xf32, #tpu.memory_space<hbm>>) target(%dma_start3A_19 : memref<128x128xf32, #tpu.memory_space<vmem>>) offsets(%dma_start3A_22 : memref<128xi32, #tpu.memory_space<vmem>>) semaphore(%arg7 : memref<!tpu.dma_semaphore, #tpu.memory_space<semaphore_mem>>)
    %dma_start3A_26 = arith.constant 2 : i32
    %dma_start3A_27 = arith.constant 2 : i32
    %dma_start3A_28 = arith.constant 0 : i32
    %dma_start3A_29 = arith.constant 0 : i32
    %dma_start3A_30 = tpu.memref_slice %arg6[%dma_start3A_27, %dma_start3A_28, %dma_start3A_29] : memref<6x128x128xf32, #tpu.memory_space<vmem>> -> memref<1x128x128xf32, #tpu.memory_space<vmem>>
    %dma_start3A_31 = tpu.memref_squeeze %dma_start3A_30 : memref<1x128x128xf32, #tpu.memory_space<vmem>> -> memref<128x128xf32, #tpu.memory_space<vmem>>
    %dma_start3A_32 = arith.constant 0 : i32
    %dma_start3A_33 = tpu.memref_slice %arg5[%dma_start3A_26, %dma_start3A_32] : memref<200x128xi32, #tpu.memory_space<vmem>> -> memref<1x128xi32, #tpu.memory_space<vmem>>
    %dma_start3A_34 = tpu.memref_squeeze %dma_start3A_33 : memref<1x128xi32, #tpu.memory_space<vmem>> -> memref<128xi32, #tpu.memory_space<vmem>>
    %dma_start3A_35 = arith.constant 0 : i32
    %dma_start3A_36 = arith.constant 0 : i32
    %dma_start3A_37 = tpu.memref_slice %arg3[%dma_start3A_35, %dma_start3A_36] : memref<100000x128xf32, #tpu.memory_space<hbm>> -> memref<100000x128xf32, #tpu.memory_space<hbm>>
    tpu.enqueue_indirect_dma source(%dma_start3A_37 : memref<100000x128xf32, #tpu.memory_space<hbm>>) target(%dma_start3A_31 : memref<128x128xf32, #tpu.memory_space<vmem>>) offsets(%dma_start3A_34 : memref<128xi32, #tpu.memory_space<vmem>>) semaphore(%arg7 : memref<!tpu.dma_semaphore, #tpu.memory_space<semaphore_mem>>)
    %dma_start3A_38 = arith.constant 3 : i32
    %dma_start3A_39 = arith.constant 3 : i32
    %dma_start3A_40 = arith.constant 0 : i32
    %dma_start3A_41 = arith.constant 0 : i32
    %dma_start3A_42 = tpu.memref_slice %arg6[%dma_start3A_39, %dma_start3A_40, %dma_start3A_41] : memref<6x128x128xf32, #tpu.memory_space<vmem>> -> memref<1x128x128xf32, #tpu.memory_space<vmem>>
    %dma_start3A_43 = tpu.memref_squeeze %dma_start3A_42 : memref<1x128x128xf32, #tpu.memory_space<vmem>> -> memref<128x128xf32, #tpu.memory_space<vmem>>
    %dma_start3A_44 = arith.constant 0 : i32
    %dma_start3A_45 = tpu.memref_slice %arg5[%dma_start3A_38, %dma_start3A_44] : memref<200x128xi32, #tpu.memory_space<vmem>> -> memref<1x128xi32, #tpu.memory_space<vmem>>
    %dma_start3A_46 = tpu.memref_squeeze %dma_start3A_45 : memref<1x128xi32, #tpu.memory_space<vmem>> -> memref<128xi32, #tpu.memory_space<vmem>>
    %dma_start3A_47 = arith.constant 0 : i32
    %dma_start3A_48 = arith.constant 0 : i32
    %dma_start3A_49 = tpu.memref_slice %arg3[%dma_start3A_47, %dma_start3A_48] : memref<100000x128xf32, #tpu.memory_space<hbm>> -> memref<100000x128xf32, #tpu.memory_space<hbm>>
    tpu.enqueue_indirect_dma source(%dma_start3A_49 : memref<100000x128xf32, #tpu.memory_space<hbm>>) target(%dma_start3A_43 : memref<128x128xf32, #tpu.memory_space<vmem>>) offsets(%dma_start3A_46 : memref<128xi32, #tpu.memory_space<vmem>>) semaphore(%arg7 : memref<!tpu.dma_semaphore, #tpu.memory_space<semaphore_mem>>)
    %scan3A = arith.constant 0 : i32
    %scan3A_50 = arith.constant 0 : i32
    %scan3A_51 = arith.constant 200 : i32
    %scan3A_52 = arith.addi %scan3A_50, %scan3A_51 : i32
    %scan3A_53 = arith.constant 1 : i32
    %scan3A_54 = scf.for %scan3A_145 = %scan3A_50 to %scan3A_52 step %scan3A_53 iter_args(%scan3A_146 = %scan3A) -> (i32)  : i32 {
      %rem3A = arith.constant 6 : i32
      %rem3A_147 = arith.remsi %scan3A_145, %rem3A : i32
      %dma_wait3A_148 = arith.constant 0 : i32
      %dma_wait3A_149 = arith.constant 0 : i32
      %dma_wait3A_150 = tpu.memref_slice %arg6[%rem3A_147, %dma_wait3A_148, %dma_wait3A_149] : memref<6x128x128xf32, #tpu.memory_space<vmem>> -> memref<1x128x128xf32, #tpu.memory_space<vmem>>
      %dma_wait3A_151 = tpu.memref_squeeze %dma_wait3A_150 : memref<1x128x128xf32, #tpu.memory_space<vmem>> -> memref<128x128xf32, #tpu.memory_space<vmem>>
      %dma_wait3A_152 = arith.constant 0 : i32
      %dma_wait3A_153 = tpu.memref_slice %arg5[%scan3A_145, %dma_wait3A_152] : memref<200x128xi32, #tpu.memory_space<vmem>> -> memref<1x128xi32, #tpu.memory_space<vmem>>
      %dma_wait3A_154 = tpu.memref_squeeze %dma_wait3A_153 : memref<1x128xi32, #tpu.memory_space<vmem>> -> memref<128xi32, #tpu.memory_space<vmem>>
      %dma_wait3A_155 = arith.constant 0 : i32
      %dma_wait3A_156 = arith.constant 0 : i32
      %dma_wait3A_157 = tpu.memref_slice %arg3[%dma_wait3A_155, %dma_wait3A_156] : memref<100000x128xf32, #tpu.memory_space<hbm>> -> memref<100000x128xf32, #tpu.memory_space<hbm>>
      tpu.wait_indirect_dma semaphore(%arg7 : memref<!tpu.dma_semaphore, #tpu.memory_space<semaphore_mem>>) src(%dma_wait3A_157 : memref<100000x128xf32, #tpu.memory_space<hbm>>) dst(%dma_wait3A_151 : memref<128x128xf32, #tpu.memory_space<vmem>>)
      %mul3A_158 = arith.constant 128 : i32
      %mul3A_159 = arith.muli %scan3A_145, %mul3A_158 : i32
      %add3A_160 = arith.addi %mul3A_2, %mul3A_159 : i32
      %dma_start3A_161 = arith.constant 0 : i32
      %dma_start3A_162 = arith.constant 0 : i32
      %dma_start3A_163 = tpu.memref_slice %arg6[%rem3A_147, %dma_start3A_161, %dma_start3A_162] : memref<6x128x128xf32, #tpu.memory_space<vmem>> -> memref<1x128x128xf32, #tpu.memory_space<vmem>>
      %dma_start3A_164 = tpu.memref_squeeze %dma_start3A_163 : memref<1x128x128xf32, #tpu.memory_space<vmem>> -> memref<128x128xf32, #tpu.memory_space<vmem>>
      %dma_start3A_165 = arith.constant 0 : i32
      %dma_start3A_166 = tpu.memref_slice %arg4[%add3A_160, %dma_start3A_165] : memref<819200x128xf32, #tpu.memory_space<hbm>> -> memref<128x128xf32, #tpu.memory_space<hbm>>
      %dma_start3A_167 = arith.constant 0 : i32
      %dma_start3A_168 = tpu.memref_slice %arg4[%add3A_160, %dma_start3A_167] : memref<819200x128xf32, #tpu.memory_space<hbm>> -> memref<128x128xf32, #tpu.memory_space<hbm>>
      %dma_start3A_169 = arith.constant 0 : i32
      %dma_start3A_170 = arith.constant 0 : i32
      %dma_start3A_171 = tpu.memref_slice %arg6[%rem3A_147, %dma_start3A_169, %dma_start3A_170] : memref<6x128x128xf32, #tpu.memory_space<vmem>> -> memref<1x128x128xf32, #tpu.memory_space<vmem>>
      %dma_start3A_172 = tpu.memref_squeeze %dma_start3A_171 : memref<1x128x128xf32, #tpu.memory_space<vmem>> -> memref<128x128xf32, #tpu.memory_space<vmem>>
      tpu.enqueue_dma source(%dma_start3A_172 : memref<128x128xf32, #tpu.memory_space<vmem>>) target(%dma_start3A_168 : memref<128x128xf32, #tpu.memory_space<hbm>>) target_semaphore(%arg8 : memref<!tpu.dma_semaphore, #tpu.memory_space<semaphore_mem>>)
      %add3A_173 = arith.constant 4 : i32
      %add3A_174 = arith.addi %scan3A_145, %add3A_173 : i32
      %lt3A = arith.constant 200 : i32
      %lt3A_175 = arith.cmpi slt, %add3A_174, %lt3A : i32
      %convert_element_type3A = arith.extui %lt3A_175 : i1 to i32
      %cond3A = arith.constant 0 : i32
      %cond3A_176 = arith.cmpi ne, %convert_element_type3A, %cond3A : i32
      scf.if %cond3A_176 {
        %add3A_178 = arith.constant 4 : i32
        %add3A_179 = arith.addi %scan3A_145, %add3A_178 : i32
        %ge3A = arith.constant 2 : i32
        %ge3A_180 = arith.cmpi sge, %scan3A_145, %ge3A : i32
        %convert_element_type3A_181 = arith.extui %ge3A_180 : i1 to i32
        %cond3A_182 = arith.constant 0 : i32
        %cond3A_183 = arith.cmpi ne, %convert_element_type3A_181, %cond3A_182 : i32
        scf.if %cond3A_183 {
          %sub3A = arith.constant 2 : i32
          %sub3A_196 = arith.subi %scan3A_145, %sub3A : i32
          %rem3A_197 = arith.constant 6 : i32
          %rem3A_198 = arith.remsi %add3A_179, %rem3A_197 : i32
          %mul3A_199 = arith.constant 128 : i32
          %mul3A_200 = arith.muli %sub3A_196, %mul3A_199 : i32
          %add3A_201 = arith.addi %mul3A_2, %mul3A_200 : i32
          %dma_wait3A_202 = arith.constant 0 : i32
          %dma_wait3A_203 = arith.constant 0 : i32
          %dma_wait3A_204 = tpu.memref_slice %arg6[%rem3A_198, %dma_wait3A_202, %dma_wait3A_203] : memref<6x128x128xf32, #tpu.memory_space<vmem>> -> memref<1x128x128xf32, #tpu.memory_space<vmem>>
          %dma_wait3A_205 = tpu.memref_squeeze %dma_wait3A_204 : memref<1x128x128xf32, #tpu.memory_space<vmem>> -> memref<128x128xf32, #tpu.memory_space<vmem>>
          %dma_wait3A_206 = arith.constant 0 : i32
          %dma_wait3A_207 = tpu.memref_slice %arg4[%add3A_201, %dma_wait3A_206] : memref<819200x128xf32, #tpu.memory_space<hbm>> -> memref<128x128xf32, #tpu.memory_space<hbm>>
          %dma_wait3A_208 = arith.constant 0 : i32
          %dma_wait3A_209 = tpu.memref_slice %arg4[%add3A_201, %dma_wait3A_208] : memref<819200x128xf32, #tpu.memory_space<hbm>> -> memref<128x128xf32, #tpu.memory_space<hbm>>
          %dma_wait3A_210 = arith.constant 0 : i32
          %dma_wait3A_211 = arith.constant 0 : i32
          %dma_wait3A_212 = tpu.memref_slice %arg6[%rem3A_198, %dma_wait3A_210, %dma_wait3A_211] : memref<6x128x128xf32, #tpu.memory_space<vmem>> -> memref<1x128x128xf32, #tpu.memory_space<vmem>>
          %dma_wait3A_213 = tpu.memref_squeeze %dma_wait3A_212 : memref<1x128x128xf32, #tpu.memory_space<vmem>> -> memref<128x128xf32, #tpu.memory_space<vmem>>
          tpu.wait_dma2 semaphore(%arg8 : memref<!tpu.dma_semaphore, #tpu.memory_space<semaphore_mem>>) src(%dma_wait3A_213 : memref<128x128xf32, #tpu.memory_space<vmem>>) dst(%dma_wait3A_209 : memref<128x128xf32, #tpu.memory_space<hbm>>)
        } else {
        }
        %rem3A_184 = arith.constant 6 : i32
        %rem3A_185 = arith.remsi %add3A_179, %rem3A_184 : i32
        %dma_start3A_186 = arith.constant 0 : i32
        %dma_start3A_187 = arith.constant 0 : i32
        %dma_start3A_188 = tpu.memref_slice %arg6[%rem3A_185, %dma_start3A_186, %dma_start3A_187] : memref<6x128x128xf32, #tpu.memory_space<vmem>> -> memref<1x128x128xf32, #tpu.memory_space<vmem>>
        %dma_start3A_189 = tpu.memref_squeeze %dma_start3A_188 : memref<1x128x128xf32, #tpu.memory_space<vmem>> -> memref<128x128xf32, #tpu.memory_space<vmem>>
        %dma_start3A_190 = arith.constant 0 : i32
        %dma_start3A_191 = tpu.memref_slice %arg5[%add3A_179, %dma_start3A_190] : memref<200x128xi32, #tpu.memory_space<vmem>> -> memref<1x128xi32, #tpu.memory_space<vmem>>
        %dma_start3A_192 = tpu.memref_squeeze %dma_start3A_191 : memref<1x128xi32, #tpu.memory_space<vmem>> -> memref<128xi32, #tpu.memory_space<vmem>>
        %dma_start3A_193 = arith.constant 0 : i32
        %dma_start3A_194 = arith.constant 0 : i32
        %dma_start3A_195 = tpu.memref_slice %arg3[%dma_start3A_193, %dma_start3A_194] : memref<100000x128xf32, #tpu.memory_space<hbm>> -> memref<100000x128xf32, #tpu.memory_space<hbm>>
        tpu.enqueue_indirect_dma source(%dma_start3A_195 : memref<100000x128xf32, #tpu.memory_space<hbm>>) target(%dma_start3A_189 : memref<128x128xf32, #tpu.memory_space<vmem>>) offsets(%dma_start3A_192 : memref<128xi32, #tpu.memory_space<vmem>>) semaphore(%arg7 : memref<!tpu.dma_semaphore, #tpu.memory_space<semaphore_mem>>)
      } else {
      }
      %scan3A_177 = arith.constant 0 : i32
      scf.yield %scan3A_177 : i32
    }
    %scan3A_55 = arith.constant 200 : i32
    %add3A_56 = arith.constant 24832 : i32
    %add3A_57 = arith.addi %mul3A_2, %add3A_56 : i32
    %dma_wait3A = arith.constant 2 : i32
    %dma_wait3A_58 = arith.constant 0 : i32
    %dma_wait3A_59 = arith.constant 0 : i32
    %dma_wait3A_60 = tpu.memref_slice %arg6[%dma_wait3A, %dma_wait3A_58, %dma_wait3A_59] : memref<6x128x128xf32, #tpu.memory_space<vmem>> -> memref<1x128x128xf32, #tpu.memory_space<vmem>>
    %dma_wait3A_61 = tpu.memref_squeeze %dma_wait3A_60 : memref<1x128x128xf32, #tpu.memory_space<vmem>> -> memref<128x128xf32, #tpu.memory_space<vmem>>
    %dma_wait3A_62 = arith.constant 0 : i32
    %dma_wait3A_63 = tpu.memref_slice %arg4[%add3A_57, %dma_wait3A_62] : memref<819200x128xf32, #tpu.memory_space<hbm>> -> memref<128x128xf32, #tpu.memory_space<hbm>>
    %dma_wait3A_64 = arith.constant 0 : i32
    %dma_wait3A_65 = tpu.memref_slice %arg4[%add3A_57, %dma_wait3A_64] : memref<819200x128xf32, #tpu.memory_space<hbm>> -> memref<128x128xf32, #tpu.memory_space<hbm>>
    %dma_wait3A_66 = arith.constant 0 : i32
    %dma_wait3A_67 = arith.constant 0 : i32
    %dma_wait3A_68 = tpu.memref_slice %arg6[%dma_wait3A, %dma_wait3A_66, %dma_wait3A_67] : memref<6x128x128xf32, #tpu.memory_space<vmem>> -> memref<1x128x128xf32, #tpu.memory_space<vmem>>
    %dma_wait3A_69 = tpu.memref_squeeze %dma_wait3A_68 : memref<1x128x128xf32, #tpu.memory_space<vmem>> -> memref<128x128xf32, #tpu.memory_space<vmem>>
    tpu.wait_dma2 semaphore(%arg8 : memref<!tpu.dma_semaphore, #tpu.memory_space<semaphore_mem>>) src(%dma_wait3A_69 : memref<128x128xf32, #tpu.memory_space<vmem>>) dst(%dma_wait3A_65 : memref<128x128xf32, #tpu.memory_space<hbm>>)
    %add3A_70 = arith.constant 24960 : i32
    %add3A_71 = arith.addi %mul3A_2, %add3A_70 : i32
    %dma_wait3A_72 = arith.constant 3 : i32
    %dma_wait3A_73 = arith.constant 0 : i32
    %dma_wait3A_74 = arith.constant 0 : i32
    %dma_wait3A_75 = tpu.memref_slice %arg6[%dma_wait3A_72, %dma_wait3A_73, %dma_wait3A_74] : memref<6x128x128xf32, #tpu.memory_space<vmem>> -> memref<1x128x128xf32, #tpu.memory_space<vmem>>
    %dma_wait3A_76 = tpu.memref_squeeze %dma_wait3A_75 : memref<1x128x128xf32, #tpu.memory_space<vmem>> -> memref<128x128xf32, #tpu.memory_space<vmem>>
    %dma_wait3A_77 = arith.constant 0 : i32
    %dma_wait3A_78 = tpu.memref_slice %arg4[%add3A_71, %dma_wait3A_77] : memref<819200x128xf32, #tpu.memory_space<hbm>> -> memref<128x128xf32, #tpu.memory_space<hbm>>
    %dma_wait3A_79 = arith.constant 0 : i32
    %dma_wait3A_80 = tpu.memref_slice %arg4[%add3A_71, %dma_wait3A_79] : memref<819200x128xf32, #tpu.memory_space<hbm>> -> memref<128x128xf32, #tpu.memory_space<hbm>>
    %dma_wait3A_81 = arith.constant 0 : i32
    %dma_wait3A_82 = arith.constant 0 : i32
    %dma_wait3A_83 = tpu.memref_slice %arg6[%dma_wait3A_72, %dma_wait3A_81, %dma_wait3A_82] : memref<6x128x128xf32, #tpu.memory_space<vmem>> -> memref<1x128x128xf32, #tpu.memory_space<vmem>>
    %dma_wait3A_84 = tpu.memref_squeeze %dma_wait3A_83 : memref<1x128x128xf32, #tpu.memory_space<vmem>> -> memref<128x128xf32, #tpu.memory_space<vmem>>
    tpu.wait_dma2 semaphore(%arg8 : memref<!tpu.dma_semaphore, #tpu.memory_space<semaphore_mem>>) src(%dma_wait3A_84 : memref<128x128xf32, #tpu.memory_space<vmem>>) dst(%dma_wait3A_80 : memref<128x128xf32, #tpu.memory_space<hbm>>)
    %add3A_85 = arith.constant 25088 : i32
    %add3A_86 = arith.addi %mul3A_2, %add3A_85 : i32
    %dma_wait3A_87 = arith.constant 4 : i32
    %dma_wait3A_88 = arith.constant 0 : i32
    %dma_wait3A_89 = arith.constant 0 : i32
    %dma_wait3A_90 = tpu.memref_slice %arg6[%dma_wait3A_87, %dma_wait3A_88, %dma_wait3A_89] : memref<6x128x128xf32, #tpu.memory_space<vmem>> -> memref<1x128x128xf32, #tpu.memory_space<vmem>>
    %dma_wait3A_91 = tpu.memref_squeeze %dma_wait3A_90 : memref<1x128x128xf32, #tpu.memory_space<vmem>> -> memref<128x128xf32, #tpu.memory_space<vmem>>
    %dma_wait3A_92 = arith.constant 0 : i32
    %dma_wait3A_93 = tpu.memref_slice %arg4[%add3A_86, %dma_wait3A_92] : memref<819200x128xf32, #tpu.memory_space<hbm>> -> memref<128x128xf32, #tpu.memory_space<hbm>>
    %dma_wait3A_94 = arith.constant 0 : i32
    %dma_wait3A_95 = tpu.memref_slice %arg4[%add3A_86, %dma_wait3A_94] : memref<819200x128xf32, #tpu.memory_space<hbm>> -> memref<128x128xf32, #tpu.memory_space<hbm>>
    %dma_wait3A_96 = arith.constant 0 : i32
    %dma_wait3A_97 = arith.constant 0 : i32
    %dma_wait3A_98 = tpu.memref_slice %arg6[%dma_wait3A_87, %dma_wait3A_96, %dma_wait3A_97] : memref<6x128x128xf32, #tpu.memory_space<vmem>> -> memref<1x128x128xf32, #tpu.memory_space<vmem>>
    %dma_wait3A_99 = tpu.memref_squeeze %dma_wait3A_98 : memref<1x128x128xf32, #tpu.memory_space<vmem>> -> memref<128x128xf32, #tpu.memory_space<vmem>>
    tpu.wait_dma2 semaphore(%arg8 : memref<!tpu.dma_semaphore, #tpu.memory_space<semaphore_mem>>) src(%dma_wait3A_99 : memref<128x128xf32, #tpu.memory_space<vmem>>) dst(%dma_wait3A_95 : memref<128x128xf32, #tpu.memory_space<hbm>>)
    %add3A_100 = arith.constant 25216 : i32
    %add3A_101 = arith.addi %mul3A_2, %add3A_100 : i32
    %dma_wait3A_102 = arith.constant 5 : i32
    %dma_wait3A_103 = arith.constant 0 : i32
    %dma_wait3A_104 = arith.constant 0 : i32
    %dma_wait3A_105 = tpu.memref_slice %arg6[%dma_wait3A_102, %dma_wait3A_103, %dma_wait3A_104] : memref<6x128x128xf32, #tpu.memory_space<vmem>> -> memref<1x128x128xf32, #tpu.memory_space<vmem>>
    %dma_wait3A_106 = tpu.memref_squeeze %dma_wait3A_105 : memref<1x128x128xf32, #tpu.memory_space<vmem>> -> memref<128x128xf32, #tpu.memory_space<vmem>>
    %dma_wait3A_107 = arith.constant 0 : i32
    %dma_wait3A_108 = tpu.memref_slice %arg4[%add3A_101, %dma_wait3A_107] : memref<819200x128xf32, #tpu.memory_space<hbm>> -> memref<128x128xf32, #tpu.memory_space<hbm>>
    %dma_wait3A_109 = arith.constant 0 : i32
    %dma_wait3A_110 = tpu.memref_slice %arg4[%add3A_101, %dma_wait3A_109] : memref<819200x128xf32, #tpu.memory_space<hbm>> -> memref<128x128xf32, #tpu.memory_space<hbm>>
    %dma_wait3A_111 = arith.constant 0 : i32
    %dma_wait3A_112 = arith.constant 0 : i32
    %dma_wait3A_113 = tpu.memref_slice %arg6[%dma_wait3A_102, %dma_wait3A_111, %dma_wait3A_112] : memref<6x128x128xf32, #tpu.memory_space<vmem>> -> memref<1x128x128xf32, #tpu.memory_space<vmem>>
    %dma_wait3A_114 = tpu.memref_squeeze %dma_wait3A_113 : memref<1x128x128xf32, #tpu.memory_space<vmem>> -> memref<128x128xf32, #tpu.memory_space<vmem>>
    tpu.wait_dma2 semaphore(%arg8 : memref<!tpu.dma_semaphore, #tpu.memory_space<semaphore_mem>>) src(%dma_wait3A_114 : memref<128x128xf32, #tpu.memory_space<vmem>>) dst(%dma_wait3A_110 : memref<128x128xf32, #tpu.memory_space<hbm>>)
    %add3A_115 = arith.constant 25344 : i32
    %add3A_116 = arith.addi %mul3A_2, %add3A_115 : i32
    %dma_wait3A_117 = arith.constant 0 : i32
    %dma_wait3A_118 = arith.constant 0 : i32
    %dma_wait3A_119 = arith.constant 0 : i32
    %dma_wait3A_120 = tpu.memref_slice %arg6[%dma_wait3A_117, %dma_wait3A_118, %dma_wait3A_119] : memref<6x128x128xf32, #tpu.memory_space<vmem>> -> memref<1x128x128xf32, #tpu.memory_space<vmem>>
    %dma_wait3A_121 = tpu.memref_squeeze %dma_wait3A_120 : memref<1x128x128xf32, #tpu.memory_space<vmem>> -> memref<128x128xf32, #tpu.memory_space<vmem>>
    %dma_wait3A_122 = arith.constant 0 : i32
    %dma_wait3A_123 = tpu.memref_slice %arg4[%add3A_116, %dma_wait3A_122] : memref<819200x128xf32, #tpu.memory_space<hbm>> -> memref<128x128xf32, #tpu.memory_space<hbm>>
    %dma_wait3A_124 = arith.constant 0 : i32
    %dma_wait3A_125 = tpu.memref_slice %arg4[%add3A_116, %dma_wait3A_124] : memref<819200x128xf32, #tpu.memory_space<hbm>> -> memref<128x128xf32, #tpu.memory_space<hbm>>
    %dma_wait3A_126 = arith.constant 0 : i32
    %dma_wait3A_127 = arith.constant 0 : i32
    %dma_wait3A_128 = tpu.memref_slice %arg6[%dma_wait3A_117, %dma_wait3A_126, %dma_wait3A_127] : memref<6x128x128xf32, #tpu.memory_space<vmem>> -> memref<1x128x128xf32, #tpu.memory_space<vmem>>
    %dma_wait3A_129 = tpu.memref_squeeze %dma_wait3A_128 : memref<1x128x128xf32, #tpu.memory_space<vmem>> -> memref<128x128xf32, #tpu.memory_space<vmem>>
    tpu.wait_dma2 semaphore(%arg8 : memref<!tpu.dma_semaphore, #tpu.memory_space<semaphore_mem>>) src(%dma_wait3A_129 : memref<128x128xf32, #tpu.memory_space<vmem>>) dst(%dma_wait3A_125 : memref<128x128xf32, #tpu.memory_space<hbm>>)
    %add3A_130 = arith.constant 25472 : i32
    %add3A_131 = arith.addi %mul3A_2, %add3A_130 : i32
    %dma_wait3A_132 = arith.constant 1 : i32
    %dma_wait3A_133 = arith.constant 0 : i32
    %dma_wait3A_134 = arith.constant 0 : i32
    %dma_wait3A_135 = tpu.memref_slice %arg6[%dma_wait3A_132, %dma_wait3A_133, %dma_wait3A_134] : memref<6x128x128xf32, #tpu.memory_space<vmem>> -> memref<1x128x128xf32, #tpu.memory_space<vmem>>
    %dma_wait3A_136 = tpu.memref_squeeze %dma_wait3A_135 : memref<1x128x128xf32, #tpu.memory_space<vmem>> -> memref<128x128xf32, #tpu.memory_space<vmem>>
    %dma_wait3A_137 = arith.constant 0 : i32
    %dma_wait3A_138 = tpu.memref_slice %arg4[%add3A_131, %dma_wait3A_137] : memref<819200x128xf32, #tpu.memory_space<hbm>> -> memref<128x128xf32, #tpu.memory_space<hbm>>
    %dma_wait3A_139 = arith.constant 0 : i32
    %dma_wait3A_140 = tpu.memref_slice %arg4[%add3A_131, %dma_wait3A_139] : memref<819200x128xf32, #tpu.memory_space<hbm>> -> memref<128x128xf32, #tpu.memory_space<hbm>>
    %dma_wait3A_141 = arith.constant 0 : i32
    %dma_wait3A_142 = arith.constant 0 : i32
    %dma_wait3A_143 = tpu.memref_slice %arg6[%dma_wait3A_132, %dma_wait3A_141, %dma_wait3A_142] : memref<6x128x128xf32, #tpu.memory_space<vmem>> -> memref<1x128x128xf32, #tpu.memory_space<vmem>>
    %dma_wait3A_144 = tpu.memref_squeeze %dma_wait3A_143 : memref<1x128x128xf32, #tpu.memory_space<vmem>> -> memref<128x128xf32, #tpu.memory_space<vmem>>
    tpu.wait_dma2 semaphore(%arg8 : memref<!tpu.dma_semaphore, #tpu.memory_space<semaphore_mem>>) src(%dma_wait3A_144 : memref<128x128xf32, #tpu.memory_space<vmem>>) dst(%dma_wait3A_140 : memref<128x128xf32, #tpu.memory_space<hbm>>)
    return
  }
}

</mosaic_0001>

<sc_bundles>
// kernel: kernel.3.cloned.1.call-start
scs
__scs_entry_jumppad:
0x0: {  	(pc) =	sbr.rel $0x88, $3  }
0x1: {  	(tag) =	ssettag $0x0;
	lr =	simm.s32 $0x1  }
0x2: {  	[smem:$0x3F9F] =	sst lr;
	_ =	strace $0xD0000000  }
0x3: {  	_ = 	snop  }
0x4: {  	_ = 	snop  }
0x5: {  	_ = 	snop  }
0x6: {  	_ = 	snop  }
0x7: {  	_ = 	snop  }
__scs_overlays_trampoline_lowered:
0x8: {  	[smem:$0x3FAE] =	sst s0  }
0x9: {  	[smem:$0x3FAF] =	sst s1  }
0xa: {  	[smem:$0x3FB0] =	sst s2  }
0xb: {  	[smem:$0x3FB1] =	sst s3  }
0xc: {  	[smem:$0x3FB2] =	sst s4  }
0xd: {  	[smem:$0x3FB3] =	sst s5  }
0xe: {  	[smem:$0x3FB4] =	sst s6  }
0xf: {  	[smem:$0x3FB5] =	sst s7  }
0x10: {  	[smem:$0x3FB6] =	sst s8  }
0x11: {  	[smem:$0x3FB7] =	sst s9;
	s0 =	simm.s32 @!p0 $0x0  }
0x12: {  	s1 =	sld [smem:$0x3F9D];
	s0 =	simm.s32 @p0 $0x1  }
0x13: {  	[smem:$0x3FB8] =	sst s0;
	s0 =	simm.s32 @!p1 $0x0  }
0x14: {  	s2 =	sld [smem:$0x3F9C];
	s0 =	simm.s32 @p1 $0x1  }
0x15: {  	[smem:$0x3FB9] =	sst s0;
	s0 =	simm.s32 @!p2 $0x0  }
0x16: {  	s3 =	sld [smem:$0x3FDB];
	s0 =	simm.s32 @p2 $0x1  }
0x17: {  	s4 =	simm.s32 $0x1BF5;
	[smem:$0x3FBB] =	sst s0  }
0x18: {  	s0 =	sld [smem:$0x3F9E];
	_ =	swait.ge [sflag:s4], $0x0  }
0x19: {  	s7 =	sld [smem:$0x3F9F]  }
0x1a: {  	s8 =	sadd.s32 $0xFFFFE003, lr  }
0x1b: {  	s9 =	sadd.s32 $0xFFFFFEF7, lr;
	s5 =	simm.s32 $0xFFFFFFFF;
	p2 =	slt.u32 s8, $0xFFFFF086  }
0x1c: {  	p1 =	slt.u32 s9, $0xF7A;
	s5 =	simm.s32 @!p2 $0x0  }
0x1d: {  	s5 =	simm.s32 @p1 $0x1;
	p0 =	seq.s32 s7, s2  }
0x1e: {  	s7 =	smul.u32 @!p0 $0xF7A, s2;
	p2 =	seq.s32 @!p0 s5, $0x0  }
0x1f: {  	s9 =	smul.u32 $0xF7A, s1;
	s8 =	simm.s32 @!p0 $0x1BF5;
	p2 =	por !p2, p0  }
0x20: {  	[sflag:s8] =	ssyncset.s32 @!p0 $0xFFFFF086;
	s6 =	sadd.s32 @!p0 s3, s7;
	s7 =	simm.s32 @!p0 $0x108  }
0x21: {  	s3 =	sadd.s32 s3, s9;
	s6 =	sadd.s32 @!p0 $0x88, s6;
	s7 =	simm.s32 @p2 $0x1082  }
0x22: {  	[simem:s7], [sflag:s8] =	dma.local @!p0 [hbm:s6], $0xF7A  }
0x23: {  	s9 =	sor.u32 $0xD0000000, s2;
	s6 =	simm.s32 $0x108;
	_ =	swait.ge @!p0 [sflag:s8], $0x0  }
0x24: {  	s3 =	sadd.s32 $0x88, s3;
	s6 =	simm.s32 @!p1 $0x1082;
	[sflag:s4] =	ssyncset.s32 $0xFFFFF086  }
0x25: {  	[simem:s6], [sflag:s4] =	dma.local [hbm:s3], $0xF7A  }
0x26: {  	[smem:$0x3F9F] =	sst s1;
	(tag) =	ssettag s2;
	_ =	strace s9  }
0x27: {  	s1 =	sld [smem:$0x3FAF]  }
0x28: {  	s2 =	sld [smem:$0x3FB0]  }
0x29: {  	s4 =	sld [smem:$0x3FB2]  }
0x2a: {  	p0 =	seq.s32 s5, $0x0;
	s5 =	sld [smem:$0x3FB3]  }
0x2b: {  	s6 =	sld [smem:$0x3FB4]  }
0x2c: {  	s7 =	sld [smem:$0x3FB5]  }
0x2d: {  	s3 =	simm.s32 $0x108;
	s8 =	sld [smem:$0x3FB6]  }
0x2e: {  	s3 =	simm.s32 @!p0 $0x1082;
	s9 =	sld [smem:$0x3FB7]  }
0x2f: {  	lr =	sadd.s32 s0, s3;
	s0 =	sld [smem:$0x3FAE]  }
0x30: {  	s3 =	sld [smem:$0x3FB1]  }
0x31: {  	[smem:$0x3FBA] =	sst s10  }
0x32: {  	s10 =	sld [smem:$0x3FB8];
	_ =	sdelay $0x3  }
0x33: {  	p0 =	seq.s32 s10, $0x1;
	s10 =	sld [smem:$0x3FBA];
	_ =	sdelay $0x3  }
0x34: {  	[smem:$0x3FBA] =	sst s10  }
0x35: {  	s10 =	sld [smem:$0x3FB9];
	_ =	sdelay $0x3  }
0x36: {  	p1 =	seq.s32 s10, $0x1;
	s10 =	sld [smem:$0x3FBA];
	_ =	sdelay $0x3  }
0x37: {  	[smem:$0x3FBA] =	sst s10  }
0x38: {  	s10 =	sld [smem:$0x3FBB]  }
0x39: {  	_ = 	snop;
	(pc) =	sbr.ind lr, $3  }
0x3a: {  	_ = 	snop  }
0x3b: {  	_ = 	snop  }
0x3c: {  	p2 =	seq.s32 s10, $0x1;
	s10 =	sld [smem:$0x3FBA]  }
0x3d: {  	_ =	shalt  }
0x3e: {  	_ =	shalt  }
0x3f: {  	_ =	shalt  }
0x40: {  	_ =	shalt  }
0x41: {  	_ =	shalt  }
0x42: {  	_ =	shalt  }
0x43: {  	_ =	shalt  }
0x44: {  	_ =	shalt  }
0x45: {  	_ =	shalt  }
0x46: {  	_ =	shalt  }
0x47: {  	_ =	shalt  }
0x48: {  	_ =	shalt  }
0x49: {  	_ =	shalt  }
0x4a: {  	_ =	shalt  }
0x4b: {  	_ =	shalt  }
0x4c: {  	_ =	shalt  }
0x4d: {  	_ =	shalt  }
0x4e: {  	_ =	shalt  }
0x4f: {  	_ =	shalt  }
0x50: {  	_ =	shalt  }
0x51: {  	_ =	shalt  }
0x52: {  	_ =	shalt  }
0x53: {  	_ =	shalt  }
0x54: {  	_ =	shalt  }
0x55: {  	_ =	shalt  }
0x56: {  	_ =	shalt  }
0x57: {  	_ =	shalt  }
0x58: {  	_ =	shalt  }
0x59: {  	_ =	shalt  }
0x5a: {  	_ =	shalt  }
0x5b: {  	_ =	shalt  }
0x5c: {  	_ =	shalt  }
0x5d: {  	_ =	shalt  }
0x5e: {  	_ =	shalt  }
0x5f: {  	_ =	shalt  }
0x60: {  	_ =	shalt  }
0x61: {  	_ =	shalt  }
0x62: {  	_ =	shalt  }
0x63: {  	_ =	shalt  }
0x64: {  	_ =	shalt  }
0x65: {  	_ =	shalt  }
0x66: {  	_ =	shalt  }
0x67: {  	_ =	shalt  }
0x68: {  	_ =	shalt  }
0x69: {  	_ =	shalt  }
0x6a: {  	_ =	shalt  }
0x6b: {  	_ =	shalt  }
0x6c: {  	_ =	shalt  }
0x6d: {  	_ =	shalt  }
0x6e: {  	_ =	shalt  }
0x6f: {  	_ =	shalt  }
0x70: {  	_ =	shalt  }
0x71: {  	_ =	shalt  }
0x72: {  	_ =	shalt  }
0x73: {  	_ =	shalt  }
0x74: {  	_ =	shalt  }
0x75: {  	_ =	shalt  }
0x76: {  	_ =	shalt  }
0x77: {  	_ =	shalt  }
0x78: {  	_ =	shalt  }
0x79: {  	_ =	shalt  }
0x7a: {  	_ =	shalt  }
0x7b: {  	_ =	shalt  }
0x7c: {  	_ =	shalt  }
0x7d: {  	_ =	shalt  }
0x7e: {  	_ =	shalt  }
0x7f: {  	_ =	shalt  }
0x80: {  	_ =	shalt  }
0x81: {  	_ =	shalt  }
0x82: {  	_ =	shalt  }
0x83: {  	_ =	shalt  }
0x84: {  	_ =	shalt  }
0x85: {  	_ =	shalt  }
0x86: {  	_ =	shalt  }
0x87: {  	_ =	shalt  }
.Lfunc_end0:
.L_simem_size_0:
called_computation_lowered:
.L_overlay_start_0:
0x88: {  	s2 =	sld [smem:$0x3FD9]  }
0x89: {  	s3 =	sld [smem:$0x3FFE];
	_ =	sdelay $0x1  }
0x8a: {  	s1 =	srdreg.scid  }
0x8b: {  	s0 =	sand.u32 $0x1, s1  }
0x8c: {  	s17 =	sshll.u32 s0, $0xA;
	s2 =	sadd.s32 s3, s2  }
0x8d: {  	s2 =	sadd.s32 s2, s17  }
0x8e: {  	[smem:$0x3FC6] =	sst s2  }
0x8f: {  	_ = 	snop  }
0x90: {  	s2 =	sld [smem:$0x3FC8]  }
0x91: {  	s18 =	sld [smem:$0x3FD0];
	(tm) =	ssettm $0x1  }
0x92: {  	s4 =	sld [smem:$0x3FFB];
	_ =	sdelay $0x3  }
0x93: {  	_ =	strace s4  }
0x94: {  	s4 =	sld [smem:$0x3FFC];
	_ =	sdelay $0x3  }
0x95: {  	_ =	strace s4  }
0x96: {  	s4 =	sld [smem:$0x3FFD];
	_ =	sdelay $0x3  }
0x97: {  	_ =	strace s4  }
0x98: {  	_ =	strace $0x8FFFFFFF  }
0x99: {  	s19 =	sld [smem:$0x3FDB];
	_ =	sdelay $0x1  }
0x9a: {  	s5 =	simm.s32 $_scs_section_size  }
0x9b: {  	s6 =	simm.s32 $_size__tile_overlayer_lowered;
	s7 =	simm.s32 $_tile_overlayer_lowered  }
0x9c: {  	s22 =	simm.s32 $0x1BFF;
	s21 =	sshll.u32 s7, $0x1;
	s4 =	sadd.s32 s5, s19  }
0x9d: {  	s8 =	simm.s32 $0x0;
	s20 =	sshll.u32 s6, $0x1;
	s6 =	sadd.s32 s21, s4  }
0x9e: {  	[timem:s8], [sflag:s22] =	dma.local [hbm:s6], s20  }
0x9f: {  	_ =	swait.ge [sflag:s22], s20  }
0xa0: {  	s5 =	ssub.s32 $0x0, s20;
	[sflag:s22] =	ssyncset.done $0x0  }
0xa1: {  	[sflag:s22] =	ssyncadd.s32 s5;
	_ =	sdelay $0x1  }
0xa2: {  	s23 =	simm.s32 $0x1B8B  }
0xa3: {  	_ =	swait.ge [sflag:s23], $0x1  }
0xa4: {  	[sflag:s23] =	ssyncset.done $0x0  }
0xa5: {  	s25 =	simm.s32 $0x1B8E;
	s24 =	sld [smem:$0x3FFE];
	[sflag:s23] =	ssyncadd.s32 $0xFFFFFFFF  }
0xa6: {  	s26 =	simm.s32 $execute0_lowered;
	[smem:$0x3FD2] =	sst s25  }
0xa7: {  	s6 =	sshll.u32 s26, $0x1;
	_ =	strace $0x80000046;
	[dreg:$0x1] =	wrdreg $0xFFFFFFFF  }
0xa8: {  	s28 =	simm.s32 $_size_execute0_lowered;
	s4 =	sadd.s32 s4, s6;
	[dreg:$0x0] =	wrdreg $0x0  }
0xa9: {  	s6 =	sshll.u32 s28, $0x1;
	[dreg:$0x2] =	wrdreg s4  }
0xaa: {  	[dreg:$0x3] =	wrdreg s6  }
0xab: {  	[dreg:$0x4] =	wrdreg $0xC0  }
0xac: {  	_ =	task [dreg:s8], $0x5FFFF  }
0xad: {  	[dreg:$0x1] =	wrdreg $0xFFFFFFFF  }
0xae: {  	[dreg:$0x0] =	wrdreg $0x60  }
0xaf: {  	[dreg:$0x2] =	wrdreg s24  }
0xb0: {  	[dreg:$0x3] =	wrdreg s2  }
0xb1: {  	[dreg:$0x4] =	wrdreg s18  }
0xb2: {  	[dreg:$0x5] =	wrdreg $0x9  }
0xb3: {  	_ =	task.clear_ibuf [dreg:s8], $0x6FFFF;
	_ =	strace $0x90000046  }
0xb4: {  	s29 =	simm.s32 $0x9;
	_ =	strace $0x80000048  }
0xb5: {  	_ =	swait.ge [sflag:s29], $0x1  }
0xb6: {  	[sflag:s29] =	ssyncadd.s32 $0xFFFFFFFF  }
0xb7: {  	_ =	strace $0x90000048  }
0xb8: {  	_ =	sfence  }
0xb9: {  	s30 =	sld [smem:$0x0];
	_ =	sdelay $0x2  }
0xba: {  	s31 =	sshll.u32 s1, $0xD;
	s1 =	sshrl.u32 s1, $0x2  }
0xbb: {  	s3 =	sand.u32 $0x4000, s31;
	s1 =	sadd.s32 s1, s30  }
0xbc: {  	s0 =	sor.u32 s3, s0;
	s1 =	sshll.u32 s1, $0x11  }
0xbd: {  	s0 =	sor.u32 s1, s0  }
0xbe: {  	s0 =	sadd.s32 $0x8F2B, s0  }
0xbf: {  	[sflag:s0] =	ssyncadd.remote.s32 $0x1  }
0xc0: {  	_ =	sfence.sel $0xFFFF  }
0xc1: {  	[dreg:$0x0] =	wrdreg $0xFFFFFFFF;
	(pc) =	sbr.abs _section_cstart, $3  }
0xc2: {  	[dreg:$0x1] =	wrdreg $0xFFFFFFFF  }
0xc3: {  	_ =	task.clear_ibuf [dreg:s8], $0x2FFFF;
	_ =	strace $0x9FFFFFFF  }
0xc4: {  	(tm) =	ssettm $0x7FFFFFFF  }
0xc5: {  	_ =	shalt  }
tec
execute0_lowered:
.L_overlay_start_1:
0x0: {  	(tag) =	ssettag $0x1  }
0x1: {  	s4 =	rddreg [dreg:$0x0]  }
0x2: {  	s1 =	srdreg.scid;
	s2 =	rddreg [dreg:$0x1]  }
0x3: {  	s0 =	stileid.u32;
	s6 =	rddreg [dreg:$0x2]  }
0x4: {  	s3 =	simm.s32 $0x0;
	s11 =	simm.s32 $0x100;
	s12 =	simm.s32 $0xE400  }
0x5: {  	s13 =	simm.s32 $0x180;
	s14 =	simm.s32 $0x12400;
	s15 =	simm.s32 $0x1  }
0x6: {  	s16 =	simm.s32 $0x2;
	s17 =	simm.s32 $0x0;
	s5 =	sand.u32 $0x1, s1  }
0x7: {  	s29 =	sshll.u32 s0, $0x1;
	s8 =	smul.u32 $0x640000, s0;
	[smem:$0x7FF] =	sst s3  }
0x8: {  	s1 =	sor.u32 s5, s29;
	s9 =	ssub.s32 $0x2, s5;
	s5 =	smul.u32 $0x320000, s5  }
0x9: {  	s7 =	smul.u32 $0xC80, s1;
	s1 =	rddreg [dreg:$0x3];
	s10 =	sshrl.u32 s9, $0x1  }
0xa: {  	_ =	strace $0x80000047;
	s30 =	ssub.s32 s9, s10;
	s8 =	sadd.s32 s5, s8  }
0xb: {  	s9 =	simm.s32 $0x6400;
	s10 =	simm.s32 $0xA400;
	s4 =	sadd.s32 s7, s4  }
0xc: {  	s5 =	smax.u32 s30, $0x1;
	s31 =	sshrl.u32 s8, $0x3;
	s7 =	simm.s32 $0x3  }
0xd: {  	s8 =	simm.s32 $0x80;
	s4 =	sadd.s32 $0x400, s4;
	s6 =	sadd.s32 s31, s6  }
.LBB2_1:
0xe: {  	[tilespmem:s3], [sflag:$0x3] =	stream.linear.gather [hbm4b:s4+s3], $0x6400, $0x38;
	[tilespmem:$0x1E400] =	vst v63  }
0xf: {  	s19 =	smul.u32 $0xAB, s3;
	_ =	swait.ge [sflag:s7], $0x6400  }
0x10: {  	s18 =	simm.s32 $0x1;
	s21 =	simm.s32 $0x4;
	[sflag:s7] =	ssyncset.done $0x0  }
0x11: {  	p0 =	por $0x0, $0x0;
	s19 =	sshrl.u32 s19, $0xA;
	[sflag:s7] =	ssyncadd.s32 $0xFFFF9C00  }
0x12: {  	[tilespmem:s9], [sflag:$0x1] =	stream.indirect.gather [hbm4b:s2+s8], $0x80, s3, s8, $0xb8;
	[tilespmem:$0x1E400] =	vst v63  }
0x13: {  	s23 =	simm.s32 $0x200;
	s20 =	smul.u32 $0xAB, s18;
	s19 =	sand.u32 $0x3F, s19  }
0x14: {  	[tilespmem:s10], [sflag:$0x1] =	stream.indirect.gather [hbm4b:s2+s8], $0x80, s8, s8, $0xb8;
	[tilespmem:$0x1E400] =	vst v63  }
0x15: {  	s22 =	simm.s32 $0x2;
	p1 =	por @!p0 $0x1, $0x1;
	s19 =	smul.u32 $0x6, s19  }
0x16: {  	[tilespmem:s12], [sflag:$0x1] =	stream.indirect.gather [hbm4b:s2+s8], $0x80, s11, s8, $0xb8;
	[tilespmem:$0x1E400] =	vst v63  }
0x17: {  	s21 =	smul.u32 @!p0 $0xAB, s21;
	p1 =	por p1, p0;
	s19 =	ssub.s32 $0x0, s19  }
0x18: {  	[tilespmem:s14], [sflag:$0x1] =	stream.indirect.gather [hbm4b:s2+s8], $0x80, s13, s8, $0xb8;
	[tilespmem:$0x1E400] =	vst v63  }
0x19: {  	s21 =	sshrl.u32 @!p0 s21, $0xA;
	s19 =	sand.u32 $0xFF, s19;
	_ =	swait.ge [sflag:s15], $0x4000  }
0x1a: {  	s21 =	sand.u32 @!p0 $0x3F, s21;
	s19 =	sshll.u32 s19, $0xE;
	[sflag:s15] =	ssyncset.done $0x0  }
0x1b: {  	s21 =	smul.u32 @!p0 $0x6, s21;
	s19 =	sadd.s32 $0x6400, s19;
	[sflag:s15] =	ssyncadd.s32 $0xFFFFC000  }
0x1c: {  	[hbm4b:s6+s3] =	stream.linear.scatter [tilespmem:s19], [sflag:$0x2], $0x4000, $0x38;
	[tilespmem:$0x1E400] =	vst v63  }
0x1d: {  	s24 =	simm.s32 @!p0 $0x80;
	s25 =	simm.s32 @!p1 $0x2;
	s19 =	ssub.s32 @!p0 $0x4, s21  }
0x1e: {  	_ =	swait.ge @!p1 [sflag:s25], $0x4000;
	s21 =	sand.u32 @!p0 $0xFF, s19;
	s19 =	simm.s32 $0x280  }
0x1f: {  	[sflag:s25] =	ssyncset.done @!p1 $0x0;
	s26 =	sshll.u32 @!p0 s21, $0xE;
	s21 =	sadd.s32 $0x800, s6  }
.LBB2_2:
0x20: {  	s28 =	smul.u32 $0xAB, s22  }
0x21: {  	[sflag:s25] =	ssyncadd.s32 @!p1 $0xFFFFC000;
	s25 =	sadd.s32 @!p0 $0x6400, s26;
	s26 =	smov.u32 s22  }
0x22: {  	[tilespmem:s25], [sflag:$0x1] =	stream.indirect.gather @!p0 [hbm4b:s2+s24], $0x80, s23, s24, $0xb8;
	[tilespmem:$0x1E400] =	vst v63  }
0x23: {  	s23 =	sshrl.u32 s20, $0xA  }
0x24: {  	s22 =	sadd.s32 $0x1, s22;
	s20 =	smov.u32 s28;
	s23 =	sand.u32 $0x3F, s23  }
0x25: {  	p0 =	sgt.u32 s18, $0xC3;
	s28 =	sadd.s32 $0x4, s18;
	s25 =	smul.u32 $0x6, s23  }
0x26: {  	p1 =	slt.u32 @!p0 s18, $0x2;
	s24 =	simm.s32 @!p0 $0x80;
	s29 =	smul.u32 @!p0 $0xAB, s28  }
0x27: {  	p2 =	sne.s32 s22, $0xC8;
	s23 =	smov.u32 s19;
	p1 =	por p1, p0  }
0x28: {  	s25 =	ssub.s32 s18, s25;
	s18 =	smov.u32 s26;
	s26 =	sshrl.u32 @!p0 s29, $0xA  }
0x29: {  	s25 =	sand.u32 $0xFF, s25;
	s26 =	sand.u32 @!p0 $0x3F, s26;
	_ =	swait.ge [sflag:s15], $0x4000  }
0x2a: {  	s25 =	sshll.u32 s25, $0xE;
	s26 =	smul.u32 @!p0 $0x6, s26;
	[sflag:s15] =	ssyncset.done $0x0  }
.Ltmp0:
0x2b: {  	s25 =	sadd.s32 $0x6400, s25;
	[sflag:s15] =	ssyncadd.s32 $0xFFFFC000;
	(pc) =	sbr.rel @p2 .LBB2_2-.Ltmp0, $4  }
0x2c: {  	[hbm4b:s21+s3] =	stream.linear.scatter [tilespmem:s25], [sflag:$0x2], $0x4000, $0x38;
	[tilespmem:$0x1E400] =	vst v63  }
0x2d: {  	s26 =	ssub.s32 @!p0 s28, s26;
	s25 =	simm.s32 @!p1 $0x2  }
0x2e: {  	s19 =	sadd.s32 $0x80, s19;
	s26 =	sand.u32 @!p0 $0xFF, s26;
	_ =	swait.ge @!p1 [sflag:s25], $0x4000  }
0x2f: {  	s21 =	sadd.s32 $0x800, s21;
	s26 =	sshll.u32 @!p0 s26, $0xE;
	[sflag:s25] =	ssyncset.done @!p1 $0x0  }
0x30: {  	[sflag:s25] =	ssyncadd.s32 @!p1 $0xFFFFC000;
	s22 =	sadd.s32 @!p0 $0x6400, s26;
	s20 =	sshrl.u32 s20, $0xA  }
0x31: {  	[tilespmem:s22], [sflag:$0x1] =	stream.indirect.gather @!p0 [hbm4b:s2+s24], $0x80, s23, s24, $0xb8;
	[tilespmem:$0x1E400] =	vst v63  }
0x32: {  	s20 =	sand.u32 $0x3F, s20  }
0x33: {  	s22 =	sadd.s32 $0x4, s18;
	p0 =	sgt.u32 s18, $0xC3;
	s20 =	smul.u32 $0x6, s20  }
0x34: {  	s23 =	smul.u32 @!p0 $0xAB, s22  }
0x35: {  	p1 =	slt.u32 @!p0 s18, $0x2;
	_ =	swait.ge [sflag:s15], $0x4000;
	s31 =	ssub.s32 s18, s20  }
0x36: {  	p1 =	por p1, p0;
	s20 =	sshrl.u32 @!p0 s23, $0xA;
	s18 =	sand.u32 $0xFF, s31  }
0x37: {  	[sflag:s15] =	ssyncset.done $0x0;
	s20 =	sand.u32 @!p0 $0x3F, s20;
	s18 =	sshll.u32 s18, $0xE  }
0x38: {  	[sflag:s15] =	ssyncadd.s32 $0xFFFFC000;
	s20 =	smul.u32 @!p0 $0x6, s20;
	s18 =	sadd.s32 $0x6400, s18  }
0x39: {  	[hbm4b:s21+s3] =	stream.linear.scatter [tilespmem:s18], [sflag:$0x2], $0x4000, $0x38;
	[tilespmem:$0x1E400] =	vst v63  }
0x3a: {  	s18 =	simm.s32 @!p1 $0x2;
	s20 =	ssub.s32 @!p0 s22, s20  }
0x3b: {  	_ =	swait.ge @!p1 [sflag:s18], $0x4000;
	s20 =	sand.u32 @!p0 $0xFF, s20  }
0x3c: {  	[sflag:s18] =	ssyncset.done @!p1 $0x0;
	s20 =	sshll.u32 @!p0 s20, $0xE  }
0x3d: {  	s21 =	simm.s32 @!p0 $0x80;
	[sflag:s18] =	ssyncadd.s32 @!p1 $0xFFFFC000;
	s18 =	sadd.s32 @!p0 $0x6400, s20  }
0x3e: {  	[tilespmem:s18], [sflag:$0x1] =	stream.indirect.gather @!p0 [hbm4b:s2+s21], $0x80, s19, s21, $0xb8;
	[tilespmem:$0x1E400] =	vst v63  }
0x3f: {  	_ =	swait.ge [sflag:s16], $0x4000  }
0x40: {  	[sflag:s16] =	ssyncset.done $0x0  }
0x41: {  	[sflag:s16] =	ssyncadd.s32 $0xFFFFC000  }
0x42: {  	_ =	swait.ge [sflag:s16], $0x4000  }
0x43: {  	[sflag:s16] =	ssyncset.done $0x0  }
0x44: {  	[sflag:s16] =	ssyncadd.s32 $0xFFFFC000  }
0x45: {  	_ =	swait.ge [sflag:s16], $0x4000  }
0x46: {  	[sflag:s16] =	ssyncset.done $0x0  }
0x47: {  	[sflag:s16] =	ssyncadd.s32 $0xFFFFC000  }
0x48: {  	_ =	swait.ge [sflag:s16], $0x4000  }
0x49: {  	[sflag:s16] =	ssyncset.done $0x0  }
0x4a: {  	s17 =	sadd.s32 $0x1, s17;
	[sflag:s16] =	ssyncadd.s32 $0xFFFFC000  }
0x4b: {  	p0 =	sne.s32 s17, s5;
	_ =	swait.ge [sflag:s16], $0x4000  }
.Ltmp1:
0x4c: {  	[sflag:s16] =	ssyncset.done $0x0;
	(pc) =	sbr.rel @p0 .LBB2_1-.Ltmp1, $4  }
0x4d: {  	[sflag:s16] =	ssyncadd.s32 $0xFFFFC000  }
0x4e: {  	_ =	swait.ge [sflag:s16], $0x4000  }
0x4f: {  	[sflag:s16] =	ssyncset.done $0x0  }
0x50: {  	[sflag:s16] =	ssyncadd.s32 $0xFFFFC000  }
0x51: {  	_ =	sfence.sel $0x180000  }
0x52: {  	[bflag:$0x0] =	sbarrier.arrive $0xFFFF  }
0x53: {  	p0 =	sne.s32 s0, $0x0;
	_ =	strace $0x90000047  }
0x54: {  	s0 =	sadd.s32 @!p0 $0x100000, s1;
	[bflag:$0x2] =	sbarrier.arrive $0xFFFF  }
0x55: {  	[sflag:s0] =	ssyncadd.tile.s32 @!p0 $0x1;
	_ =	shalt  }
.Lfunc_end2:
_tile_overlayer_lowered:
.L_overlay_start_2:
0x56: {  	(tag) =	ssettag $0x2  }
0x57: {  	s0 =	rddreg [dreg:$0x0];
	s2 =	stileid.u32  }
0x58: {  	s1 =	rddreg [dreg:$0x1];
	p0 =	sne.s32 s2, $0x0  }
0x59: {  	s3 =	rddreg [dreg:$0x2];
	[bflag:$0x3] =	sbarrier.arrive $0xFFFF;
	s2 =	simm.s32 @!p0 $0x1C03  }
0x5a: {  	[timem:s3], [sflag:s2] =	dma.local @!p0 [hbm:s0], s1  }
0x5b: {  	s0 =	simm.s32 @!p0 $0x3  }
0x5c: {  	_ =	swait.ge @!p0 [sflag:s0], s1  }
0x5d: {  	s1 =	ssub.s32 @!p0 $0x0, s1;
	[sflag:s0] =	ssyncset.done @!p0 $0x0  }
0x5e: {  	[sflag:s0] =	ssyncadd.s32 @!p0 s1  }
0x5f: {  	[bflag:$0x3] =	sbarrier.arrive $0xFFFF  }
0x60: {  	_ =	shalt  }

</sc_bundles>
